<compile_context>
chip_gen: v7x
topology: tpu7x:2x2x1
jax: 0.10.2.dev20260603
libtpu: 0.0.44.dev20260713+nightly
codegen_flags: <defaults>
</compile_context>

<pallas_src>
import functools

import jax
import jax.numpy as jnp
from jax import lax
from jax.experimental import pallas as pl
from jax.experimental.pallas import tpu as pltpu
from jax.experimental.pallas import tpu_sc as plsc

_L = 16
_NS = 16


def _physflat(prob):
    n, c = prob.shape
    a = prob.reshape(n // 128, 128, c // 8, 8)
    return a.transpose(2, 0, 3, 1).reshape(-1)


def _nll_body(n, per_w, flat_hbm, tgt_hbm, w_hbm, fin_hbm,
              tgt_v, idx_v, pv_v, wv_v, stage_v, zero_v, red_v, out_v,
              idx0_v, acc_sh, sem):
    sid = lax.axis_index("s")
    base = sid * per_w

    pltpu.sync_copy(tgt_hbm.at[pl.ds(base, per_w)], tgt_v)

    cp_w = pltpu.async_copy(w_hbm.at[tgt_v], wv_v, sem)

    iota = lax.iota(jnp.int32, _L)
    idx0_v[...] = iota
    for j in range(per_w // _L):
        t16 = tgt_v[pl.ds(j * _L, _L)]
        i16 = base + j * _L + iota
        idx_v[pl.ds(j * _L, _L)] = (
            (t16 >> 3) * (8 * n) + ((i16 >> 7) << 10)
            + ((t16 & 7) << 7) + (i16 & 127))

    cp_p = pltpu.async_copy(flat_hbm.at[idx_v], pv_v, sem)

    @pl.when(sid == 0)
    def _():
        zero_v[...] = jnp.zeros((_L,), jnp.float32)
        pltpu.sync_copy(zero_v, acc_sh)

    cp_w.wait()
    cp_p.wait()

    acc = jnp.zeros((_L,), jnp.float32)
    for j in range(per_w // _L):
        acc = acc + pv_v[pl.ds(j * _L, _L)] * wv_v[pl.ds(j * _L, _L)]
    stage_v[...] = acc

    plsc.subcore_barrier()
    pltpu.sync_copy(stage_v, acc_sh.at[idx0_v], add=True)
    plsc.subcore_barrier()

    @pl.when(sid == 0)
    def _():
        pltpu.sync_copy(acc_sh, red_v)
        tot = red_v[...]
        for sh in (8, 4, 2, 1):
            tot = tot + jnp.take_along_axis(
                tot, iota ^ sh, axis=0, mode="promise_in_bounds")
        out_v[...] = -tot
        pltpu.sync_copy(out_v, fin_hbm)


def kernel(prob, target, weight):
    n, c = prob.shape
    per_w = n // _NS
    assert per_w % _L == 0 and per_w * _NS == n
    assert n % 128 == 0 and c % 8 == 0

    mesh = plsc.VectorSubcoreMesh(
        core_axis_name="c", subcore_axis_name="s", num_cores=1)
    body = functools.partial(_nll_body, n, per_w)
    run = pl.kernel(
        body,
        out_type=jax.ShapeDtypeStruct((_L,), jnp.float32),
        mesh=mesh,
        compiler_params=pltpu.CompilerParams(
            needs_layout_passes=False, skip_device_barrier=True,
            disable_bounds_checks=True, disable_semaphore_checks=True),
        scratch_types=[
            pltpu.VMEM((per_w,), jnp.int32),
            pltpu.VMEM((per_w,), jnp.int32),
            pltpu.VMEM((per_w,), jnp.float32),
            pltpu.VMEM((per_w,), jnp.float32),
            pltpu.VMEM((_L,), jnp.float32),
            pltpu.VMEM((_L,), jnp.float32),
            pltpu.VMEM((_L,), jnp.float32),
            pltpu.VMEM((_L,), jnp.float32),
            pltpu.VMEM((_L,), jnp.int32),
            pltpu.VMEM_SHARED((_L,), jnp.float32),
            pltpu.SemaphoreType.DMA,
        ],
    )
    fin = run(_physflat(prob), target, weight)
    return fin[0]

# --- scband reference (transcript-rebuilt; emitter-appended) ---
"""Pipeline reference for scband-nllloss-83099027243429 (READ-ONLY COPY).

The authoritative reference and input builder live on the scoring server;
editing this copy changes nothing except your own understanding.
"""

import jax, jax.numpy as jnp
import numpy as np

N, C = 1024, 100000

def setup_inputs(seed: int = 0) -> dict:
    key = jax.random.key(seed)
    k1, k2, k3 = jax.random.split(key, 3)
    prob = jax.random.normal(k1, (N, C), dtype=jnp.float32)
    target = jax.random.randint(k2, (N,), 0, C, dtype=jnp.int32)
    weight = jax.random.uniform(k3, (C,), dtype=jnp.float32)
    return {"prob": prob, "target": target, "weight": weight}


def reference(prob, target, weight):
    # Faithful translation of NLLLoss.forward:
    #   weight (C,) -> (1, C) -> broadcast to (N, C)
    #   prob = weight * prob
    #   one_hot scatter + masked_select == gather of prob[i, target[i]]
    #   loss = -sum(selected)
    n = target.shape[0]
    c = prob.shape[1]
    w = jnp.broadcast_to(weight.reshape(1, -1), (n, c))
    weighted = w * prob
    picked = jnp.take_along_axis(weighted, target.reshape(-1, 1), axis=1).reshape(-1)
    return -jnp.sum(picked)

if __name__ == "__main__":
    import jax
    _d = setup_inputs()
    print(jax.jit(kernel)(*tuple(_d.values())))

</pallas_src>

<mosaic_0001>
#map = affine_map<(d0, d1) -> (0)>
module attributes {stable_mosaic.version = 14 : i64} {
  func.func @_nll_body(%arg0: i32, %arg1: i32, %arg2: memref<102400000xf32, #tpu.memory_space<hbm>>, %arg3: memref<1024xi32, #tpu.memory_space<hbm>>, %arg4: memref<100000xf32, #tpu.memory_space<hbm>>, %arg5: memref<16xf32, #tpu.memory_space<hbm>>, %arg6: memref<64xi32, #tpu.memory_space<vmem>>, %arg7: memref<64xi32, #tpu.memory_space<vmem>>, %arg8: memref<64xf32, #tpu.memory_space<vmem>>, %arg9: memref<64xf32, #tpu.memory_space<vmem>>, %arg10: memref<16xf32, #tpu.memory_space<vmem>>, %arg11: memref<16xf32, #tpu.memory_space<vmem>>, %arg12: memref<16xf32, #tpu.memory_space<vmem>>, %arg13: memref<16xf32, #tpu.memory_space<vmem>>, %arg14: memref<16xi32, #tpu.memory_space<vmem>>, %arg15: memref<16xf32, #tpu.memory_space<vmem_shared>>, %arg16: memref<!tpu.dma_semaphore, #tpu.memory_space<semaphore_mem>>) attributes {dimension_semantics = [#tpu.dimension_semantics<core_parallel>, #tpu.dimension_semantics<subcore_parallel>], iteration_bounds = array<i64: 1, 16>, scalar_prefetch = 0 : i64, scratch_operands = 11 : i64, tpu.core_type = #tpu.core_type<sc_vector_subcore>, window_params = [{transform_indices = #map}, {transform_indices = #map}, {transform_indices = #map}, {transform_indices = #map}]} {
    %mul3A = arith.constant 64 : i32
    %mul3A_0 = arith.muli %arg1, %mul3A : i32
    "tpu.region"() ({
      %run_scoped3A = tpu.sem_alloc : memref<!tpu.dma_semaphore, #tpu.memory_space<semaphore_mem>>
      %dma_start3A_166 = tpu.memref_slice %arg3[%mul3A_0] : memref<1024xi32, #tpu.memory_space<hbm>> -> memref<64xi32, #tpu.memory_space<hbm>>
      %dma_start3A_167 = tpu.memref_slice %arg3[%mul3A_0] : memref<1024xi32, #tpu.memory_space<hbm>> -> memref<64xi32, #tpu.memory_space<hbm>>
      tpu.enqueue_dma source(%dma_start3A_167 : memref<64xi32, #tpu.memory_space<hbm>>) target(%arg6 : memref<64xi32, #tpu.memory_space<vmem>>) target_semaphore(%run_scoped3A : memref<!tpu.dma_semaphore, #tpu.memory_space<semaphore_mem>>)
      %dma_wait3A_168 = tpu.memref_slice %arg3[%mul3A_0] : memref<1024xi32, #tpu.memory_space<hbm>> -> memref<64xi32, #tpu.memory_space<hbm>>
      %dma_wait3A_169 = tpu.memref_slice %arg3[%mul3A_0] : memref<1024xi32, #tpu.memory_space<hbm>> -> memref<64xi32, #tpu.memory_space<hbm>>
      tpu.wait_dma2 semaphore(%run_scoped3A : memref<!tpu.dma_semaphore, #tpu.memory_space<semaphore_mem>>) src(%dma_wait3A_169 : memref<64xi32, #tpu.memory_space<hbm>>) dst(%arg6 : memref<64xi32, #tpu.memory_space<vmem>>)
      tpu.yield
    }) : () -> ()
    %dma_start3A = arith.constant 0 : i32
    %dma_start3A_1 = tpu.memref_slice %arg4[%dma_start3A] : memref<100000xf32, #tpu.memory_space<hbm>> -> memref<100000xf32, #tpu.memory_space<hbm>>
    tpu.enqueue_indirect_dma source(%dma_start3A_1 : memref<100000xf32, #tpu.memory_space<hbm>>) target(%arg9 : memref<64xf32, #tpu.memory_space<vmem>>) offsets(%arg6 : memref<64xi32, #tpu.memory_space<vmem>>) semaphore(%arg16 : memref<!tpu.dma_semaphore, #tpu.memory_space<semaphore_mem>>)
    %iota3A = tpu.iota {dimensions = array<i32: 0>} : vector<16xi32>
    %swap3A = arith.constant 0 : index
    %swap3A_2 = tpu.vector_load %arg14[%swap3A] {strides = array<i32>} : memref<16xi32, #tpu.memory_space<vmem>>, vector<16xi32>,
    tpu.vector_store %arg14[%swap3A], %iota3A {strides = array<i32>} : memref<16xi32, #tpu.memory_space<vmem>>, vector<16xi32>,
    %get3A = arith.constant 0 : index
    %get3A_3 = tpu.vector_load %arg6[%get3A] {strides = array<i32>} : memref<64xi32, #tpu.memory_space<vmem>>, vector<16xi32>,
    %add3A = arith.constant 0 : i32
    %add3A_4 = arith.addi %mul3A_0, %add3A : i32
    %add3A_5 = vector.broadcast %add3A_4 : i32 to vector<16xi32>
    %add3A_6 = arith.addi %add3A_5, %iota3A : vector<16xi32>
    %shift_right_arithmetic3A = arith.constant 3 : i32
    %shift_right_arithmetic3A_7 = vector.broadcast %shift_right_arithmetic3A : i32 to vector<16xi32>
    %shift_right_arithmetic3A_8 = arith.shrsi %get3A_3, %shift_right_arithmetic3A_7 : vector<16xi32>
    %mul3A_9 = arith.constant 8192 : i32
    %mul3A_10 = vector.broadcast %mul3A_9 : i32 to vector<16xi32>
    %mul3A_11 = arith.muli %shift_right_arithmetic3A_8, %mul3A_10 : vector<16xi32>
    %shift_right_arithmetic3A_12 = arith.constant 7 : i32
    %shift_right_arithmetic3A_13 = vector.broadcast %shift_right_arithmetic3A_12 : i32 to vector<16xi32>
    %shift_right_arithmetic3A_14 = arith.shrsi %add3A_6, %shift_right_arithmetic3A_13 : vector<16xi32>
    %shift_left3A = arith.constant 10 : i32
    %shift_left3A_15 = vector.broadcast %shift_left3A : i32 to vector<16xi32>
    %shift_left3A_16 = arith.shli %shift_right_arithmetic3A_14, %shift_left3A_15 : vector<16xi32>
    %add3A_17 = arith.addi %mul3A_11, %shift_left3A_16 : vector<16xi32>
    %and3A = arith.constant 7 : i32
    %and3A_18 = vector.broadcast %and3A : i32 to vector<16xi32>
    %and3A_19 = arith.andi %get3A_3, %and3A_18 : vector<16xi32>
    %shift_left3A_20 = arith.constant 7 : i32
    %shift_left3A_21 = vector.broadcast %shift_left3A_20 : i32 to vector<16xi32>
    %shift_left3A_22 = arith.shli %and3A_19, %shift_left3A_21 : vector<16xi32>
    %add3A_23 = arith.addi %add3A_17, %shift_left3A_22 : vector<16xi32>
    %and3A_24 = arith.constant 127 : i32
    %and3A_25 = vector.broadcast %and3A_24 : i32 to vector<16xi32>
    %and3A_26 = arith.andi %add3A_6, %and3A_25 : vector<16xi32>
    %add3A_27 = arith.addi %add3A_23, %and3A_26 : vector<16xi32>
    %swap3A_28 = arith.constant 0 : index
    %swap3A_29 = tpu.vector_load %arg7[%swap3A_28] {strides = array<i32>} : memref<64xi32, #tpu.memory_space<vmem>>, vector<16xi32>,
    tpu.vector_store %arg7[%swap3A_28], %add3A_27 {strides = array<i32>} : memref<64xi32, #tpu.memory_space<vmem>>, vector<16xi32>,
    %get3A_30 = arith.constant 16 : index
    %get3A_31 = tpu.vector_load %arg6[%get3A_30] {strides = array<i32>} : memref<64xi32, #tpu.memory_space<vmem>>, vector<16xi32>,
    %add3A_32 = arith.constant 16 : i32
    %add3A_33 = arith.addi %mul3A_0, %add3A_32 : i32
    %add3A_34 = vector.broadcast %add3A_33 : i32 to vector<16xi32>
    %add3A_35 = arith.addi %add3A_34, %iota3A : vector<16xi32>
    %shift_right_arithmetic3A_36 = arith.constant 3 : i32
    %shift_right_arithmetic3A_37 = vector.broadcast %shift_right_arithmetic3A_36 : i32 to vector<16xi32>
    %shift_right_arithmetic3A_38 = arith.shrsi %get3A_31, %shift_right_arithmetic3A_37 : vector<16xi32>
    %mul3A_39 = arith.constant 8192 : i32
    %mul3A_40 = vector.broadcast %mul3A_39 : i32 to vector<16xi32>
    %mul3A_41 = arith.muli %shift_right_arithmetic3A_38, %mul3A_40 : vector<16xi32>
    %shift_right_arithmetic3A_42 = arith.constant 7 : i32
    %shift_right_arithmetic3A_43 = vector.broadcast %shift_right_arithmetic3A_42 : i32 to vector<16xi32>
    %shift_right_arithmetic3A_44 = arith.shrsi %add3A_35, %shift_right_arithmetic3A_43 : vector<16xi32>
    %shift_left3A_45 = arith.constant 10 : i32
    %shift_left3A_46 = vector.broadcast %shift_left3A_45 : i32 to vector<16xi32>
    %shift_left3A_47 = arith.shli %shift_right_arithmetic3A_44, %shift_left3A_46 : vector<16xi32>
    %add3A_48 = arith.addi %mul3A_41, %shift_left3A_47 : vector<16xi32>
    %and3A_49 = arith.constant 7 : i32
    %and3A_50 = vector.broadcast %and3A_49 : i32 to vector<16xi32>
    %and3A_51 = arith.andi %get3A_31, %and3A_50 : vector<16xi32>
    %shift_left3A_52 = arith.constant 7 : i32
    %shift_left3A_53 = vector.broadcast %shift_left3A_52 : i32 to vector<16xi32>
    %shift_left3A_54 = arith.shli %and3A_51, %shift_left3A_53 : vector<16xi32>
    %add3A_55 = arith.addi %add3A_48, %shift_left3A_54 : vector<16xi32>
    %and3A_56 = arith.constant 127 : i32
    %and3A_57 = vector.broadcast %and3A_56 : i32 to vector<16xi32>
    %and3A_58 = arith.andi %add3A_35, %and3A_57 : vector<16xi32>
    %add3A_59 = arith.addi %add3A_55, %and3A_58 : vector<16xi32>
    %swap3A_60 = arith.constant 16 : index
    %swap3A_61 = tpu.vector_load %arg7[%swap3A_60] {strides = array<i32>} : memref<64xi32, #tpu.memory_space<vmem>>, vector<16xi32>,
    tpu.vector_store %arg7[%swap3A_60], %add3A_59 {strides = array<i32>} : memref<64xi32, #tpu.memory_space<vmem>>, vector<16xi32>,
    %get3A_62 = arith.constant 32 : index
    %get3A_63 = tpu.vector_load %arg6[%get3A_62] {strides = array<i32>} : memref<64xi32, #tpu.memory_space<vmem>>, vector<16xi32>,
    %add3A_64 = arith.constant 32 : i32
    %add3A_65 = arith.addi %mul3A_0, %add3A_64 : i32
    %add3A_66 = vector.broadcast %add3A_65 : i32 to vector<16xi32>
    %add3A_67 = arith.addi %add3A_66, %iota3A : vector<16xi32>
    %shift_right_arithmetic3A_68 = arith.constant 3 : i32
    %shift_right_arithmetic3A_69 = vector.broadcast %shift_right_arithmetic3A_68 : i32 to vector<16xi32>
    %shift_right_arithmetic3A_70 = arith.shrsi %get3A_63, %shift_right_arithmetic3A_69 : vector<16xi32>
    %mul3A_71 = arith.constant 8192 : i32
    %mul3A_72 = vector.broadcast %mul3A_71 : i32 to vector<16xi32>
    %mul3A_73 = arith.muli %shift_right_arithmetic3A_70, %mul3A_72 : vector<16xi32>
    %shift_right_arithmetic3A_74 = arith.constant 7 : i32
    %shift_right_arithmetic3A_75 = vector.broadcast %shift_right_arithmetic3A_74 : i32 to vector<16xi32>
    %shift_right_arithmetic3A_76 = arith.shrsi %add3A_67, %shift_right_arithmetic3A_75 : vector<16xi32>
    %shift_left3A_77 = arith.constant 10 : i32
    %shift_left3A_78 = vector.broadcast %shift_left3A_77 : i32 to vector<16xi32>
    %shift_left3A_79 = arith.shli %shift_right_arithmetic3A_76, %shift_left3A_78 : vector<16xi32>
    %add3A_80 = arith.addi %mul3A_73, %shift_left3A_79 : vector<16xi32>
    %and3A_81 = arith.constant 7 : i32
    %and3A_82 = vector.broadcast %and3A_81 : i32 to vector<16xi32>
    %and3A_83 = arith.andi %get3A_63, %and3A_82 : vector<16xi32>
    %shift_left3A_84 = arith.constant 7 : i32
    %shift_left3A_85 = vector.broadcast %shift_left3A_84 : i32 to vector<16xi32>
    %shift_left3A_86 = arith.shli %and3A_83, %shift_left3A_85 : vector<16xi32>
    %add3A_87 = arith.addi %add3A_80, %shift_left3A_86 : vector<16xi32>
    %and3A_88 = arith.constant 127 : i32
    %and3A_89 = vector.broadcast %and3A_88 : i32 to vector<16xi32>
    %and3A_90 = arith.andi %add3A_67, %and3A_89 : vector<16xi32>
    %add3A_91 = arith.addi %add3A_87, %and3A_90 : vector<16xi32>
    %swap3A_92 = arith.constant 32 : index
    %swap3A_93 = tpu.vector_load %arg7[%swap3A_92] {strides = array<i32>} : memref<64xi32, #tpu.memory_space<vmem>>, vector<16xi32>,
    tpu.vector_store %arg7[%swap3A_92], %add3A_91 {strides = array<i32>} : memref<64xi32, #tpu.memory_space<vmem>>, vector<16xi32>,
    %get3A_94 = arith.constant 48 : index
    %get3A_95 = tpu.vector_load %arg6[%get3A_94] {strides = array<i32>} : memref<64xi32, #tpu.memory_space<vmem>>, vector<16xi32>,
    %add3A_96 = arith.constant 48 : i32
    %add3A_97 = arith.addi %mul3A_0, %add3A_96 : i32
    %add3A_98 = vector.broadcast %add3A_97 : i32 to vector<16xi32>
    %add3A_99 = arith.addi %add3A_98, %iota3A : vector<16xi32>
    %shift_right_arithmetic3A_100 = arith.constant 3 : i32
    %shift_right_arithmetic3A_101 = vector.broadcast %shift_right_arithmetic3A_100 : i32 to vector<16xi32>
    %shift_right_arithmetic3A_102 = arith.shrsi %get3A_95, %shift_right_arithmetic3A_101 : vector<16xi32>
    %mul3A_103 = arith.constant 8192 : i32
    %mul3A_104 = vector.broadcast %mul3A_103 : i32 to vector<16xi32>
    %mul3A_105 = arith.muli %shift_right_arithmetic3A_102, %mul3A_104 : vector<16xi32>
    %shift_right_arithmetic3A_106 = arith.constant 7 : i32
    %shift_right_arithmetic3A_107 = vector.broadcast %shift_right_arithmetic3A_106 : i32 to vector<16xi32>
    %shift_right_arithmetic3A_108 = arith.shrsi %add3A_99, %shift_right_arithmetic3A_107 : vector<16xi32>
    %shift_left3A_109 = arith.constant 10 : i32
    %shift_left3A_110 = vector.broadcast %shift_left3A_109 : i32 to vector<16xi32>
    %shift_left3A_111 = arith.shli %shift_right_arithmetic3A_108, %shift_left3A_110 : vector<16xi32>
    %add3A_112 = arith.addi %mul3A_105, %shift_left3A_111 : vector<16xi32>
    %and3A_113 = arith.constant 7 : i32
    %and3A_114 = vector.broadcast %and3A_113 : i32 to vector<16xi32>
    %and3A_115 = arith.andi %get3A_95, %and3A_114 : vector<16xi32>
    %shift_left3A_116 = arith.constant 7 : i32
    %shift_left3A_117 = vector.broadcast %shift_left3A_116 : i32 to vector<16xi32>
    %shift_left3A_118 = arith.shli %and3A_115, %shift_left3A_117 : vector<16xi32>
    %add3A_119 = arith.addi %add3A_112, %shift_left3A_118 : vector<16xi32>
    %and3A_120 = arith.constant 127 : i32
    %and3A_121 = vector.broadcast %and3A_120 : i32 to vector<16xi32>
    %and3A_122 = arith.andi %add3A_99, %and3A_121 : vector<16xi32>
    %add3A_123 = arith.addi %add3A_119, %and3A_122 : vector<16xi32>
    %swap3A_124 = arith.constant 48 : index
    %swap3A_125 = tpu.vector_load %arg7[%swap3A_124] {strides = array<i32>} : memref<64xi32, #tpu.memory_space<vmem>>, vector<16xi32>,
    tpu.vector_store %arg7[%swap3A_124], %add3A_123 {strides = array<i32>} : memref<64xi32, #tpu.memory_space<vmem>>, vector<16xi32>,
    %dma_start3A_126 = arith.constant 0 : i32
    %dma_start3A_127 = tpu.memref_slice %arg2[%dma_start3A_126] : memref<102400000xf32, #tpu.memory_space<hbm>> -> memref<102400000xf32, #tpu.memory_space<hbm>>
    tpu.enqueue_indirect_dma source(%dma_start3A_127 : memref<102400000xf32, #tpu.memory_space<hbm>>) target(%arg8 : memref<64xf32, #tpu.memory_space<vmem>>) offsets(%arg7 : memref<64xi32, #tpu.memory_space<vmem>>) semaphore(%arg16 : memref<!tpu.dma_semaphore, #tpu.memory_space<semaphore_mem>>)
    %eq3A = arith.constant 0 : i32
    %eq3A_128 = arith.cmpi eq, %arg1, %eq3A : i32
    %convert_element_type3A = arith.extui %eq3A_128 : i1 to i32
    %cond3A = arith.constant 0 : i32
    %cond3A_129 = arith.cmpi ne, %convert_element_type3A, %cond3A : i32
    scf.if %cond3A_129 {
      %broadcast_in_dim3A_166 = arith.constant 0.000000e+00 : f32
      %broadcast_in_dim3A_167 = vector.broadcast %broadcast_in_dim3A_166 : f32 to vector<16xf32>
      %swap3A_168 = arith.constant 0 : index
      %swap3A_169 = tpu.vector_load %arg11[%swap3A_168] {strides = array<i32>} : memref<16xf32, #tpu.memory_space<vmem>>, vector<16xf32>,
      tpu.vector_store %arg11[%swap3A_168], %broadcast_in_dim3A_167 {strides = array<i32>} : memref<16xf32, #tpu.memory_space<vmem>>, vector<16xf32>,
      "tpu.region"() ({
        %run_scoped3A = tpu.sem_alloc : memref<!tpu.dma_semaphore, #tpu.memory_space<semaphore_mem>>
        tpu.enqueue_dma source(%arg11 : memref<16xf32, #tpu.memory_space<vmem>>) target(%arg15 : memref<16xf32, #tpu.memory_space<vmem_shared>>) target_semaphore(%run_scoped3A : memref<!tpu.dma_semaphore, #tpu.memory_space<semaphore_mem>>)
        tpu.wait_dma2 semaphore(%run_scoped3A : memref<!tpu.dma_semaphore, #tpu.memory_space<semaphore_mem>>) src(%arg11 : memref<16xf32, #tpu.memory_space<vmem>>) dst(%arg15 : memref<16xf32, #tpu.memory_space<vmem_shared>>)
        tpu.yield
      }) : () -> ()
    } else {
    }
    %dma_wait3A = arith.constant 0 : i32
    %dma_wait3A_130 = tpu.memref_slice %arg4[%dma_wait3A] : memref<100000xf32, #tpu.memory_space<hbm>> -> memref<100000xf32, #tpu.memory_space<hbm>>
    tpu.wait_indirect_dma semaphore(%arg16 : memref<!tpu.dma_semaphore, #tpu.memory_space<semaphore_mem>>) src(%dma_wait3A_130 : memref<100000xf32, #tpu.memory_space<hbm>>) dst(%arg9 : memref<64xf32, #tpu.memory_space<vmem>>)
    %dma_wait3A_131 = arith.constant 0 : i32
    %dma_wait3A_132 = tpu.memref_slice %arg2[%dma_wait3A_131] : memref<102400000xf32, #tpu.memory_space<hbm>> -> memref<102400000xf32, #tpu.memory_space<hbm>>
    tpu.wait_indirect_dma semaphore(%arg16 : memref<!tpu.dma_semaphore, #tpu.memory_space<semaphore_mem>>) src(%dma_wait3A_132 : memref<102400000xf32, #tpu.memory_space<hbm>>) dst(%arg8 : memref<64xf32, #tpu.memory_space<vmem>>)
    %broadcast_in_dim3A = arith.constant 0.000000e+00 : f32
    %broadcast_in_dim3A_133 = vector.broadcast %broadcast_in_dim3A : f32 to vector<16xf32>
    %get3A_134 = arith.constant 0 : index
    %get3A_135 = tpu.vector_load %arg8[%get3A_134] {strides = array<i32>} : memref<64xf32, #tpu.memory_space<vmem>>, vector<16xf32>,
    %get3A_136 = arith.constant 0 : index
    %get3A_137 = tpu.vector_load %arg9[%get3A_136] {strides = array<i32>} : memref<64xf32, #tpu.memory_space<vmem>>, vector<16xf32>,
    %mul3A_138 = arith.mulf %get3A_135, %get3A_137 : vector<16xf32>
    %add3A_139 = arith.addf %broadcast_in_dim3A_133, %mul3A_138 : vector<16xf32>
    %get3A_140 = arith.constant 16 : index
    %get3A_141 = tpu.vector_load %arg8[%get3A_140] {strides = array<i32>} : memref<64xf32, #tpu.memory_space<vmem>>, vector<16xf32>,
    %get3A_142 = arith.constant 16 : index
    %get3A_143 = tpu.vector_load %arg9[%get3A_142] {strides = array<i32>} : memref<64xf32, #tpu.memory_space<vmem>>, vector<16xf32>,
    %mul3A_144 = arith.mulf %get3A_141, %get3A_143 : vector<16xf32>
    %add3A_145 = arith.addf %add3A_139, %mul3A_144 : vector<16xf32>
    %get3A_146 = arith.constant 32 : index
    %get3A_147 = tpu.vector_load %arg8[%get3A_146] {strides = array<i32>} : memref<64xf32, #tpu.memory_space<vmem>>, vector<16xf32>,
    %get3A_148 = arith.constant 32 : index
    %get3A_149 = tpu.vector_load %arg9[%get3A_148] {strides = array<i32>} : memref<64xf32, #tpu.memory_space<vmem>>, vector<16xf32>,
    %mul3A_150 = arith.mulf %get3A_147, %get3A_149 : vector<16xf32>
    %add3A_151 = arith.addf %add3A_145, %mul3A_150 : vector<16xf32>
    %get3A_152 = arith.constant 48 : index
    %get3A_153 = tpu.vector_load %arg8[%get3A_152] {strides = array<i32>} : memref<64xf32, #tpu.memory_space<vmem>>, vector<16xf32>,
    %get3A_154 = arith.constant 48 : index
    %get3A_155 = tpu.vector_load %arg9[%get3A_154] {strides = array<i32>} : memref<64xf32, #tpu.memory_space<vmem>>, vector<16xf32>,
    %mul3A_156 = arith.mulf %get3A_153, %get3A_155 : vector<16xf32>
    %add3A_157 = arith.addf %add3A_151, %mul3A_156 : vector<16xf32>
    %swap3A_158 = arith.constant 0 : index
    %swap3A_159 = tpu.vector_load %arg10[%swap3A_158] {strides = array<i32>} : memref<16xf32, #tpu.memory_space<vmem>>, vector<16xf32>,
    tpu.vector_store %arg10[%swap3A_158], %add3A_157 {strides = array<i32>} : memref<16xf32, #tpu.memory_space<vmem>>, vector<16xf32>,
    %barrier3A = arith.constant 0 : index
    tpu.barrier barrier_id(%barrier3A)
    "tpu.region"() ({
      %run_scoped3A = tpu.sem_alloc : memref<!tpu.dma_semaphore, #tpu.memory_space<semaphore_mem>>
      %dma_start3A_166 = arith.constant 0 : i32
      %dma_start3A_167 = tpu.memref_slice %arg15[%dma_start3A_166] : memref<16xf32, #tpu.memory_space<vmem_shared>> -> memref<16xf32, #tpu.memory_space<vmem_shared>>
      tpu.enqueue_indirect_dma source(%arg10 : memref<16xf32, #tpu.memory_space<vmem>>) target(%dma_start3A_167 : memref<16xf32, #tpu.memory_space<vmem_shared>>) offsets(%arg14 : memref<16xi32, #tpu.memory_space<vmem>>) semaphore(%run_scoped3A : memref<!tpu.dma_semaphore, #tpu.memory_space<semaphore_mem>>) {add = true}
      %dma_wait3A_168 = arith.constant 0 : i32
      %dma_wait3A_169 = tpu.memref_slice %arg15[%dma_wait3A_168] : memref<16xf32, #tpu.memory_space<vmem_shared>> -> memref<16xf32, #tpu.memory_space<vmem_shared>>
      tpu.wait_indirect_dma semaphore(%run_scoped3A : memref<!tpu.dma_semaphore, #tpu.memory_space<semaphore_mem>>) src(%arg10 : memref<16xf32, #tpu.memory_space<vmem>>) dst(%dma_wait3A_169 : memref<16xf32, #tpu.memory_space<vmem_shared>>)
      tpu.yield
    }) : () -> ()
    %barrier3A_160 = arith.constant 0 : index
    tpu.barrier barrier_id(%barrier3A_160)
    %eq3A_161 = arith.constant 0 : i32
    %eq3A_162 = arith.cmpi eq, %arg1, %eq3A_161 : i32
    %convert_element_type3A_163 = arith.extui %eq3A_162 : i1 to i32
    %cond3A_164 = arith.constant 0 : i32
    %cond3A_165 = arith.cmpi ne, %convert_element_type3A_163, %cond3A_164 : i32
    scf.if %cond3A_165 {
      "tpu.region"() ({
        %run_scoped3A = tpu.sem_alloc : memref<!tpu.dma_semaphore, #tpu.memory_space<semaphore_mem>>
        tpu.enqueue_dma source(%arg15 : memref<16xf32, #tpu.memory_space<vmem_shared>>) target(%arg12 : memref<16xf32, #tpu.memory_space<vmem>>) target_semaphore(%run_scoped3A : memref<!tpu.dma_semaphore, #tpu.memory_space<semaphore_mem>>)
        tpu.wait_dma2 semaphore(%run_scoped3A : memref<!tpu.dma_semaphore, #tpu.memory_space<semaphore_mem>>) src(%arg15 : memref<16xf32, #tpu.memory_space<vmem_shared>>) dst(%arg12 : memref<16xf32, #tpu.memory_space<vmem>>)
        tpu.yield
      }) : () -> ()
      %get3A_166 = arith.constant 0 : index
      %get3A_167 = tpu.vector_load %arg12[%get3A_166] {strides = array<i32>} : memref<16xf32, #tpu.memory_space<vmem>>, vector<16xf32>,
      %xor3A = arith.constant 8 : i32
      %xor3A_168 = vector.broadcast %xor3A : i32 to vector<16xi32>
      %xor3A_169 = arith.xori %iota3A, %xor3A_168 : vector<16xi32>
      %reshape3A = vector.shape_cast %xor3A_169 : vector<16xi32> to vector<16x1xi32>
      %gather3A = vector.shape_cast %reshape3A : vector<16x1xi32> to vector<16xi32>
      %gather3A_170 = tpu.dynamic_gather %get3A_167[%gather3A] in [0] : vector<16xf32>, vector<16xi32> -> vector<16xf32>
      %add3A_171 = arith.addf %get3A_167, %gather3A_170 : vector<16xf32>
      %xor3A_172 = arith.constant 4 : i32
      %xor3A_173 = vector.broadcast %xor3A_172 : i32 to vector<16xi32>
      %xor3A_174 = arith.xori %iota3A, %xor3A_173 : vector<16xi32>
      %reshape3A_175 = vector.shape_cast %xor3A_174 : vector<16xi32> to vector<16x1xi32>
      %gather3A_176 = vector.shape_cast %reshape3A_175 : vector<16x1xi32> to vector<16xi32>
      %gather3A_177 = tpu.dynamic_gather %add3A_171[%gather3A_176] in [0] : vector<16xf32>, vector<16xi32> -> vector<16xf32>
      %add3A_178 = arith.addf %add3A_171, %gather3A_177 : vector<16xf32>
      %xor3A_179 = arith.constant 2 : i32
      %xor3A_180 = vector.broadcast %xor3A_179 : i32 to vector<16xi32>
      %xor3A_181 = arith.xori %iota3A, %xor3A_180 : vector<16xi32>
      %reshape3A_182 = vector.shape_cast %xor3A_181 : vector<16xi32> to vector<16x1xi32>
      %gather3A_183 = vector.shape_cast %reshape3A_182 : vector<16x1xi32> to vector<16xi32>
      %gather3A_184 = tpu.dynamic_gather %add3A_178[%gather3A_183] in [0] : vector<16xf32>, vector<16xi32> -> vector<16xf32>
      %add3A_185 = arith.addf %add3A_178, %gather3A_184 : vector<16xf32>
      %xor3A_186 = arith.constant 1 : i32
      %xor3A_187 = vector.broadcast %xor3A_186 : i32 to vector<16xi32>
      %xor3A_188 = arith.xori %iota3A, %xor3A_187 : vector<16xi32>
      %reshape3A_189 = vector.shape_cast %xor3A_188 : vector<16xi32> to vector<16x1xi32>
      %gather3A_190 = vector.shape_cast %reshape3A_189 : vector<16x1xi32> to vector<16xi32>
      %gather3A_191 = tpu.dynamic_gather %add3A_185[%gather3A_190] in [0] : vector<16xf32>, vector<16xi32> -> vector<16xf32>
      %add3A_192 = arith.addf %add3A_185, %gather3A_191 : vector<16xf32>
      %neg3A = arith.constant 0.000000e+00 : f32
      %neg3A_193 = vector.broadcast %neg3A : f32 to vector<16xf32>
      %neg3A_194 = arith.subf %neg3A_193, %add3A_192 : vector<16xf32>
      %swap3A_195 = arith.constant 0 : index
      %swap3A_196 = tpu.vector_load %arg13[%swap3A_195] {strides = array<i32>} : memref<16xf32, #tpu.memory_space<vmem>>, vector<16xf32>,
      tpu.vector_store %arg13[%swap3A_195], %neg3A_194 {strides = array<i32>} : memref<16xf32, #tpu.memory_space<vmem>>, vector<16xf32>,
      "tpu.region"() ({
        %run_scoped3A = tpu.sem_alloc : memref<!tpu.dma_semaphore, #tpu.memory_space<semaphore_mem>>
        tpu.enqueue_dma source(%arg13 : memref<16xf32, #tpu.memory_space<vmem>>) target(%arg5 : memref<16xf32, #tpu.memory_space<hbm>>) target_semaphore(%run_scoped3A : memref<!tpu.dma_semaphore, #tpu.memory_space<semaphore_mem>>)
        tpu.wait_dma2 semaphore(%run_scoped3A : memref<!tpu.dma_semaphore, #tpu.memory_space<semaphore_mem>>) src(%arg13 : memref<16xf32, #tpu.memory_space<vmem>>) dst(%arg5 : memref<16xf32, #tpu.memory_space<hbm>>)
        tpu.yield
      }) : () -> ()
    } else {
    }
    return
  }
}

</mosaic_0001>

<sc_bundles>
// kernel: kernel.3.cloned.1.call-start
scs
__scs_entry_jumppad:
0x0: {  	(pc) =	sbr.rel $0x88, $3  }
0x1: {  	(tag) =	ssettag $0x0;
	lr =	simm.s32 $0x1  }
0x2: {  	[smem:$0x3F9E] =	sst lr;
	_ =	strace $0xD0000000  }
0x3: {  	_ = 	snop  }
0x4: {  	_ = 	snop  }
0x5: {  	_ = 	snop  }
0x6: {  	_ = 	snop  }
0x7: {  	_ = 	snop  }
__scs_overlays_trampoline_lowered:
0x8: {  	[smem:$0x3FAD] =	sst s0  }
0x9: {  	[smem:$0x3FAE] =	sst s1  }
0xa: {  	[smem:$0x3FAF] =	sst s2  }
0xb: {  	[smem:$0x3FB0] =	sst s3  }
0xc: {  	[smem:$0x3FB1] =	sst s4  }
0xd: {  	[smem:$0x3FB2] =	sst s5  }
0xe: {  	[smem:$0x3FB3] =	sst s6  }
0xf: {  	[smem:$0x3FB4] =	sst s7  }
0x10: {  	[smem:$0x3FB5] =	sst s8  }
0x11: {  	[smem:$0x3FB6] =	sst s9;
	s0 =	simm.s32 @!p0 $0x0  }
0x12: {  	s1 =	sld [smem:$0x3F9C];
	s0 =	simm.s32 @p0 $0x1  }
0x13: {  	[smem:$0x3FB7] =	sst s0;
	s0 =	simm.s32 @!p1 $0x0  }
0x14: {  	s2 =	sld [smem:$0x3F9B];
	s0 =	simm.s32 @p1 $0x1  }
0x15: {  	[smem:$0x3FB8] =	sst s0;
	s0 =	simm.s32 @!p2 $0x0  }
0x16: {  	s3 =	sld [smem:$0x3FDB];
	s0 =	simm.s32 @p2 $0x1  }
0x17: {  	s4 =	simm.s32 $0x1BF5;
	[smem:$0x3FBA] =	sst s0  }
0x18: {  	s0 =	sld [smem:$0x3F9D];
	_ =	swait.ge [sflag:s4], $0x0  }
0x19: {  	s7 =	sld [smem:$0x3F9E]  }
0x1a: {  	s8 =	sadd.s32 $0xFFFFE003, lr  }
0x1b: {  	s9 =	sadd.s32 $0xFFFFFEF7, lr;
	s5 =	simm.s32 $0xFFFFFFFF;
	p2 =	slt.u32 s8, $0xFFFFF086  }
0x1c: {  	p1 =	slt.u32 s9, $0xF7A;
	s5 =	simm.s32 @!p2 $0x0  }
0x1d: {  	s5 =	simm.s32 @p1 $0x1;
	p0 =	seq.s32 s7, s2  }
0x1e: {  	s7 =	smul.u32 @!p0 $0xF7A, s2;
	p2 =	seq.s32 @!p0 s5, $0x0  }
0x1f: {  	s9 =	smul.u32 $0xF7A, s1;
	s8 =	simm.s32 @!p0 $0x1BF5;
	p2 =	por !p2, p0  }
0x20: {  	[sflag:s8] =	ssyncset.s32 @!p0 $0xFFFFF086;
	s6 =	sadd.s32 @!p0 s3, s7;
	s7 =	simm.s32 @!p0 $0x108  }
0x21: {  	s3 =	sadd.s32 s3, s9;
	s6 =	sadd.s32 @!p0 $0x88, s6;
	s7 =	simm.s32 @p2 $0x1082  }
0x22: {  	[simem:s7], [sflag:s8] =	dma.local @!p0 [hbm:s6], $0xF7A  }
0x23: {  	s9 =	sor.u32 $0xD0000000, s2;
	s6 =	simm.s32 $0x108;
	_ =	swait.ge @!p0 [sflag:s8], $0x0  }
0x24: {  	s3 =	sadd.s32 $0x88, s3;
	s6 =	simm.s32 @!p1 $0x1082;
	[sflag:s4] =	ssyncset.s32 $0xFFFFF086  }
0x25: {  	[simem:s6], [sflag:s4] =	dma.local [hbm:s3], $0xF7A  }
0x26: {  	[smem:$0x3F9E] =	sst s1;
	(tag) =	ssettag s2;
	_ =	strace s9  }
0x27: {  	s1 =	sld [smem:$0x3FAE]  }
0x28: {  	s2 =	sld [smem:$0x3FAF]  }
0x29: {  	s4 =	sld [smem:$0x3FB1]  }
0x2a: {  	p0 =	seq.s32 s5, $0x0;
	s5 =	sld [smem:$0x3FB2]  }
0x2b: {  	s6 =	sld [smem:$0x3FB3]  }
0x2c: {  	s7 =	sld [smem:$0x3FB4]  }
0x2d: {  	s3 =	simm.s32 $0x108;
	s8 =	sld [smem:$0x3FB5]  }
0x2e: {  	s3 =	simm.s32 @!p0 $0x1082;
	s9 =	sld [smem:$0x3FB6]  }
0x2f: {  	lr =	sadd.s32 s0, s3;
	s0 =	sld [smem:$0x3FAD]  }
0x30: {  	s3 =	sld [smem:$0x3FB0]  }
0x31: {  	[smem:$0x3FB9] =	sst s10  }
0x32: {  	s10 =	sld [smem:$0x3FB7];
	_ =	sdelay $0x3  }
0x33: {  	p0 =	seq.s32 s10, $0x1;
	s10 =	sld [smem:$0x3FB9];
	_ =	sdelay $0x3  }
0x34: {  	[smem:$0x3FB9] =	sst s10  }
0x35: {  	s10 =	sld [smem:$0x3FB8];
	_ =	sdelay $0x3  }
0x36: {  	p1 =	seq.s32 s10, $0x1;
	s10 =	sld [smem:$0x3FB9];
	_ =	sdelay $0x3  }
0x37: {  	[smem:$0x3FB9] =	sst s10  }
0x38: {  	s10 =	sld [smem:$0x3FBA]  }
0x39: {  	_ = 	snop;
	(pc) =	sbr.ind lr, $3  }
0x3a: {  	_ = 	snop  }
0x3b: {  	_ = 	snop  }
0x3c: {  	p2 =	seq.s32 s10, $0x1;
	s10 =	sld [smem:$0x3FB9]  }
0x3d: {  	_ =	shalt  }
0x3e: {  	_ =	shalt  }
0x3f: {  	_ =	shalt  }
0x40: {  	_ =	shalt  }
0x41: {  	_ =	shalt  }
0x42: {  	_ =	shalt  }
0x43: {  	_ =	shalt  }
0x44: {  	_ =	shalt  }
0x45: {  	_ =	shalt  }
0x46: {  	_ =	shalt  }
0x47: {  	_ =	shalt  }
0x48: {  	_ =	shalt  }
0x49: {  	_ =	shalt  }
0x4a: {  	_ =	shalt  }
0x4b: {  	_ =	shalt  }
0x4c: {  	_ =	shalt  }
0x4d: {  	_ =	shalt  }
0x4e: {  	_ =	shalt  }
0x4f: {  	_ =	shalt  }
0x50: {  	_ =	shalt  }
0x51: {  	_ =	shalt  }
0x52: {  	_ =	shalt  }
0x53: {  	_ =	shalt  }
0x54: {  	_ =	shalt  }
0x55: {  	_ =	shalt  }
0x56: {  	_ =	shalt  }
0x57: {  	_ =	shalt  }
0x58: {  	_ =	shalt  }
0x59: {  	_ =	shalt  }
0x5a: {  	_ =	shalt  }
0x5b: {  	_ =	shalt  }
0x5c: {  	_ =	shalt  }
0x5d: {  	_ =	shalt  }
0x5e: {  	_ =	shalt  }
0x5f: {  	_ =	shalt  }
0x60: {  	_ =	shalt  }
0x61: {  	_ =	shalt  }
0x62: {  	_ =	shalt  }
0x63: {  	_ =	shalt  }
0x64: {  	_ =	shalt  }
0x65: {  	_ =	shalt  }
0x66: {  	_ =	shalt  }
0x67: {  	_ =	shalt  }
0x68: {  	_ =	shalt  }
0x69: {  	_ =	shalt  }
0x6a: {  	_ =	shalt  }
0x6b: {  	_ =	shalt  }
0x6c: {  	_ =	shalt  }
0x6d: {  	_ =	shalt  }
0x6e: {  	_ =	shalt  }
0x6f: {  	_ =	shalt  }
0x70: {  	_ =	shalt  }
0x71: {  	_ =	shalt  }
0x72: {  	_ =	shalt  }
0x73: {  	_ =	shalt  }
0x74: {  	_ =	shalt  }
0x75: {  	_ =	shalt  }
0x76: {  	_ =	shalt  }
0x77: {  	_ =	shalt  }
0x78: {  	_ =	shalt  }
0x79: {  	_ =	shalt  }
0x7a: {  	_ =	shalt  }
0x7b: {  	_ =	shalt  }
0x7c: {  	_ =	shalt  }
0x7d: {  	_ =	shalt  }
0x7e: {  	_ =	shalt  }
0x7f: {  	_ =	shalt  }
0x80: {  	_ =	shalt  }
0x81: {  	_ =	shalt  }
0x82: {  	_ =	shalt  }
0x83: {  	_ =	shalt  }
0x84: {  	_ =	shalt  }
0x85: {  	_ =	shalt  }
0x86: {  	_ =	shalt  }
0x87: {  	_ =	shalt  }
.Lfunc_end0:
.L_simem_size_0:
called_computation_lowered:
.L_overlay_start_0:
0x88: {  	s0 =	sld [smem:$0x3FD9]  }
0x89: {  	s1 =	sld [smem:$0x3FFE];
	_ =	sdelay $0x3  }
0x8a: {  	s0 =	sadd.s32 s1, s0  }
0x8b: {  	[smem:$0x3FC5] =	sst s0  }
0x8c: {  	_ = 	snop  }
0x8d: {  	s0 =	sld [smem:$0x3FC9]  }
0x8e: {  	s17 =	sld [smem:$0x3FC8]  }
0x8f: {  	s2 =	sld [smem:$0x3FC7]  }
0x90: {  	s3 =	sld [smem:$0x3FD0];
	(tm) =	ssettm $0x1  }
0x91: {  	s4 =	sld [smem:$0x3FFB];
	_ =	sdelay $0x3  }
0x92: {  	_ =	strace s4  }
0x93: {  	s4 =	sld [smem:$0x3FFC];
	_ =	sdelay $0x3  }
0x94: {  	_ =	strace s4  }
0x95: {  	s4 =	sld [smem:$0x3FFD];
	_ =	sdelay $0x3  }
0x96: {  	_ =	strace s4  }
0x97: {  	_ =	strace $0x8FFFFFFF  }
0x98: {  	s18 =	sld [smem:$0x3FDB];
	_ =	sdelay $0x1  }
0x99: {  	s5 =	simm.s32 $_scs_section_size  }
0x9a: {  	s6 =	simm.s32 $_size__tile_overlayer_lowered;
	s7 =	simm.s32 $_tile_overlayer_lowered  }
0x9b: {  	s21 =	simm.s32 $0x1BFF;
	s20 =	sshll.u32 s7, $0x1;
	s4 =	sadd.s32 s5, s18  }
0x9c: {  	s8 =	simm.s32 $0x0;
	s19 =	sshll.u32 s6, $0x1;
	s6 =	sadd.s32 s20, s4  }
0x9d: {  	[timem:s8], [sflag:s21] =	dma.local [hbm:s6], s19  }
0x9e: {  	_ =	swait.ge [sflag:s21], s19  }
0x9f: {  	s5 =	ssub.s32 $0x0, s19;
	[sflag:s21] =	ssyncset.done $0x0  }
0xa0: {  	[sflag:s21] =	ssyncadd.s32 s5;
	_ =	sdelay $0x1  }
0xa1: {  	s22 =	simm.s32 $0x1B8B  }
0xa2: {  	_ =	swait.ge [sflag:s22], $0x1  }
0xa3: {  	[sflag:s22] =	ssyncset.done $0x0  }
0xa4: {  	s23 =	simm.s32 $0x1B8E;
	[sflag:s22] =	ssyncadd.s32 $0xFFFFFFFF  }
0xa5: {  	s24 =	simm.s32 $execute0_lowered;
	[smem:$0x3FD2] =	sst s23  }
0xa6: {  	s5 =	sshll.u32 s24, $0x1;
	_ =	strace $0x80000046;
	[dreg:$0x1] =	wrdreg $0xFFFFFFFF  }
0xa7: {  	s25 =	simm.s32 $_size_execute0_lowered;
	s4 =	sadd.s32 s4, s5;
	[dreg:$0x0] =	wrdreg $0x0  }
0xa8: {  	s5 =	sshll.u32 s25, $0x1;
	[dreg:$0x2] =	wrdreg s4  }
0xa9: {  	[dreg:$0x3] =	wrdreg s5  }
0xaa: {  	[dreg:$0x4] =	wrdreg $0xC0  }
0xab: {  	_ =	task [dreg:s8], $0x5FFFF  }
0xac: {  	[dreg:$0x1] =	wrdreg $0xFFFFFFFF  }
0xad: {  	[dreg:$0x0] =	wrdreg $0x60  }
0xae: {  	[dreg:$0x2] =	wrdreg s0  }
0xaf: {  	[dreg:$0x3] =	wrdreg s17  }
0xb0: {  	[dreg:$0x4] =	wrdreg s2  }
0xb1: {  	[dreg:$0x5] =	wrdreg s3  }
0xb2: {  	[dreg:$0x6] =	wrdreg $0x4800  }
0xb3: {  	[dreg:$0x7] =	wrdreg $0x9  }
0xb4: {  	_ =	task.clear_ibuf [dreg:s8], $0x8FFFF;
	_ =	strace $0x90000046  }
0xb5: {  	s26 =	simm.s32 $0x9;
	_ =	strace $0x80000048  }
0xb6: {  	_ =	swait.ge [sflag:s26], $0x1  }
0xb7: {  	[sflag:s26] =	ssyncadd.s32 $0xFFFFFFFF  }
0xb8: {  	_ =	strace $0x90000048  }
0xb9: {  	_ =	sfence  }
0xba: {  	s28 =	sld [smem:$0x0];
	_ =	sdelay $0x1  }
0xbb: {  	s29 =	srdreg.scid  }
0xbc: {  	s30 =	sshll.u32 s29, $0xD;
	s31 =	sshrl.u32 s29, $0x2  }
0xbd: {  	s1 =	sand.u32 $0x1, s29;
	s2 =	sand.u32 $0x4000, s30;
	s0 =	sadd.s32 s31, s28  }
0xbe: {  	s1 =	sor.u32 s2, s1;
	s0 =	sshll.u32 s0, $0x11  }
0xbf: {  	s0 =	sor.u32 s0, s1  }
0xc0: {  	s0 =	sadd.s32 $0x8F2B, s0  }
0xc1: {  	[sflag:s0] =	ssyncadd.remote.s32 $0x1  }
0xc2: {  	_ =	sfence.sel $0xFFFF  }
0xc3: {  	[dreg:$0x0] =	wrdreg $0xFFFFFFFF;
	(pc) =	sbr.abs _section_cstart, $3  }
0xc4: {  	[dreg:$0x1] =	wrdreg $0xFFFFFFFF  }
0xc5: {  	_ =	task.clear_ibuf [dreg:s8], $0x2FFFF;
	_ =	strace $0x9FFFFFFF  }
0xc6: {  	(tm) =	ssettm $0x7FFFFFFF  }
0xc7: {  	_ =	shalt  }
tec
execute0_lowered:
.L_overlay_start_1:
0x0: {  	(tag) =	ssettag $0x1  }
0x1: {  	s4 =	rddreg [dreg:$0x0]  }
0x2: {  	s3 =	rddreg [dreg:$0x1]  }
0x3: {  	s7 =	rddreg [dreg:$0x2]  }
0x4: {  	s1 =	rddreg [dreg:$0x3]  }
0x5: {  	s2 =	rddreg [dreg:$0x4]  }
0x6: {  	s0 =	rddreg [dreg:$0x5];
	s8 =	simm.s32 $0x0;
	s5 =	stileid.u32  }
0x7: {  	[smem:$0x7FF] =	sst s8;
	s6 =	sshll.u32 s5, $0x3  }
0x8: {  	s21 =	simm.s32 $0x2;
	_ =	strace $0x80000047;
	s3 =	sadd.s32 s3, s6  }
0x9: {  	[tilespmem:s8], [sflag:$0x2] =	stream.linear.gather [hbm4b:s3+s8], $0x40, $0x38;
	[tilespmem:$0x488] =	vst v63  }
0xa: {  	s22 =	simm.s32 $0x40;
	_ =	swait.ge [sflag:s21], $0x40  }
0xb: {  	v1 =	vlaneseq.u32;
	s11 =	simm.s32 $0x180;
	s9 =	sshll.u32 s5, $0x6;
	[sflag:s21] =	ssyncset.done $0x0  }
0xc: {  	v0 =	vmov s9;
	s10 =	sor.u32 $0x10, s9;
	v2 =	vor.u32 s9, v1;
	s23 =	sor.u32 $0x20, s9;
	[sflag:s21] =	ssyncadd.s32 $0xFFFFFFC0  }
0xd: {  	v0 =	vshll.u32 v0, $0x3;
	v3 =	vmov s10;
	v2 =	vand.u32 $0x4F, v2;
	[tilespmem:s11], [sflag:$0x1] =	stream.indirect.gather [hbm4b:s7+s22], $0x1, s8, s22, $0xb8;
	[tilespmem:$0x488] =	vst v63  }
0xe: {  	s24 =	sor.u32 $0x30, s9;
	v4 =	vor.u32 s10, v1;
	v6 =	vmov s23;
	v40 =	vor.u32 s23, v1;
	v5 =	vld [tilespmem:$0x0]  }
0xf: {  	v7 =	vmov s24;
	v8 =	vor.u32 s24, v1;
	v0 =	vand.u32 $0x1C00, v0;
	v39 =	vld [tilespmem:$0x10]  }
0x10: {  	v3 =	vshll.u32 v3, $0x3;
	v4 =	vand.u32 $0x5F, v4;
	v38 =	vshll.u32 v6, $0x3;
	v10 =	vld [tilespmem:$0x20]  }
0x11: {  	v6 =	vand.u32 $0x6F, v40;
	v7 =	vshll.u32 v7, $0x3;
	v8 =	vand.u32 $0x7F, v8;
	v43 =	vld [tilespmem:$0x30]  }
0x12: {  	v3 =	vand.u32 $0x1C00, v3;
	v0 =	vor.u32 v0, v2;
	v7 =	vand.u32 $0x1C00, v7  }
0x13: {  	v37 =	vor.u32 v3, v4;
	v3 =	vand.u32 $0x1C00, v38;
	v41 =	vor.u32 v7, v8  }
0x14: {  	v3 =	vor.u32 v3, v6;
	v9 =	vshll.u32 v5, $0xA;
	v5 =	vshll.u32 v5, $0x7  }
0x15: {  	v44 =	vshll.u32 v39, $0xA;
	v4 =	vshll.u32 v39, $0x7;
	v45 =	vshll.u32 v10, $0xA  }
0x16: {  	v46 =	vshll.u32 v10, $0x7;
	v49 =	vshll.u32 v43, $0xA;
	v52 =	vshll.u32 v43, $0x7  }
0x17: {  	v42 =	vand.u32 $0xFFFFE000, v9;
	v5 =	vand.u32 $0x380, v5;
	v7 =	vand.u32 $0xFFFFE000, v44  }
0x18: {  	v4 =	vand.u32 $0x380, v4;
	v47 =	vand.u32 $0xFFFFE000, v45;
	v0 =	vor.u32 v42, v0  }
0x19: {  	[tilespmem:$0x400] =	vst v1;
	v51 =	vand.u32 $0xFFFFE000, v49;
	v2 =	vor.u32 v7, v37;
	v0 =	vor.u32 v5, v0  }
0x1a: {  	v53 =	vand.u32 $0x380, v52;
	v1 =	vor.u32 v51, v41;
	v2 =	vor.u32 v4, v2;
	[tilespmem:$0x80] =	vst v0  }
0x1b: {  	v48 =	vand.u32 $0x380, v46;
	v50 =	vor.u32 v47, v3;
	v54 =	vor.u32 v53, v1;
	[tilespmem:$0x90] =	vst v2  }
0x1c: {  	v0 =	vor.u32 v48, v50;
	[tilespmem:$0xB0] =	vst v54  }
0x1d: {  	s25 =	simm.s32 $0x80;
	s26 =	simm.s32 $0x100;
	p0 =	sne.s32 s5, $0x0;
	[tilespmem:$0xA0] =	vst v0  }
0x1e: {  	v0 =	vimm.f32 @!p0 $0.0e+00;
	[tilespmem:s26], [sflag:$0x1] =	stream.indirect.gather [hbm4b:s4+s22], $0x1, s25, s22, $0xb8;
	[tilespmem:$0x488] =	vst v63  }
0x1f: {  	s4 =	simm.s32 @!p0 $0x280;
	[tilespmem:$0x280] =	vst @!p0 v0  }
0x20: {  	[spmem:s2] =	stream.linear.scatter @!p0 [tilespmem:s4], [sflag:$0x2], $0x80, $0x38;
	[tilespmem:$0x488] =	vst v63  }
0x21: {  	s4 =	simm.s32 @!p0 $0x2  }
0x22: {  	_ =	swait.ge @!p0 [sflag:s4], $0x80  }
0x23: {  	[sflag:s4] =	ssyncset.done @!p0 $0x0  }
0x24: {  	s28 =	simm.s32 $0x1;
	[sflag:s4] =	ssyncadd.s32 @!p0 $0xFFFFFF80  }
0x25: {  	_ =	swait.ge [sflag:s28], $0x40  }
0x26: {  	[sflag:s28] =	ssyncset.done $0x0  }
0x27: {  	[sflag:s28] =	ssyncadd.s32 $0xFFFFFFC0  }
0x28: {  	_ =	swait.ge [sflag:s28], $0x40  }
0x29: {  	[sflag:s28] =	ssyncset.done $0x0  }
0x2a: {  	[sflag:s28] =	ssyncadd.s32 $0xFFFFFFC0  }
0x2b: {  	v55 =	vld [tilespmem:$0x100]  }
0x2c: {  	v56 =	vld [tilespmem:$0x180]  }
0x2d: {  	v57 =	vld [tilespmem:$0x110]  }
0x2e: {  	v58 =	vld [tilespmem:$0x190]  }
0x2f: {  	v59 =	vld [tilespmem:$0x120]  }
0x30: {  	v60 =	vld [tilespmem:$0x1A0]  }
0x31: {  	v61 =	vld [tilespmem:$0x130];
	v0 =	vmul.f32 v56, v55  }
0x32: {  	v62 =	vld [tilespmem:$0x1B0]  }
0x33: {  	v2 =	vmul.f32 v58, v57;
	v0 =	vadd.f32 $0.0e+00, v0;
	_ =	sdelay $0x1  }
0x34: {  	v63 =	vmul.f32 v60, v59;
	v0 =	vadd.f32 v2, v0;
	_ =	sdelay $0x1  }
0x35: {  	v1 =	vmul.f32 v62, v61;
	v0 =	vadd.f32 v63, v0;
	_ =	sdelay $0x1  }
0x36: {  	v0 =	vadd.f32 v1, v0;
	_ =	sdelay $0x1  }
0x37: {  	s29 =	simm.s32 $0x10;
	[tilespmem:$0x200] =	vst v0  }
0x38: {  	s30 =	simm.s32 $0x400;
	s31 =	simm.s32 $0x200;
	[bflag:$0x0] =	sbarrier.arrive $0xFFFF  }
0x39: {  	[spmem:s2] =	stream.indirect.scatter.add.f32 [tilespmem:s31], [sflag:$0x2], $0x1, s30, s29, $0xb8;
	[tilespmem:$0x488] =	vst v63  }
0x3a: {  	_ =	swait.ge [sflag:s21], $0x10  }
0x3b: {  	[sflag:s21] =	ssyncset.done $0x0  }
0x3c: {  	[sflag:s21] =	ssyncadd.s32 $0xFFFFFFF0  }
0x3d: {  	[bflag:$0x0] =	sbarrier.arrive $0xFFFF  }
0x3e: {  	_ =	sfence.sel @p0 $0x180000  }
0x3f: {  	[bflag:$0x0] =	sbarrier.arrive @p0 $0xFFFF  }
0x40: {  	_ =	strace @p0 $0x90000047  }
0x41: {  	s3 =	simm.s32 @!p0 $0x300;
	v0 =	vimm.s32 @!p0 $0xFEDCBA98;
	[bflag:$0x2] =	sbarrier.arrive @p0 $0xFFFF  }
0x42: {  	v1 =	vimm.s32 @!p0 $0x76543210;
	v0 =	vunpack.c.l.s4.s8 @!p0 v0;
	[tilespmem:s3], [sflag:$0x2] =	stream.linear.gather @!p0 [spmem:s2], $0x80, $0x38;
	[tilespmem:$0x488] =	vst v63  }
0x43: {  	v1 =	vunpack.c.l.s4.s8 @!p0 v1;
	_ =	swait.ge @!p0 [sflag:s4], $0x80  }
0x44: {  	v0 =	vunpack.c.0.s8.s32 @!p0 v0;
	[sflag:s4] =	ssyncset.done @!p0 $0x0  }
0x45: {  	v1 =	vunpack.c.0.s8.s32 @!p0 v1;
	[sflag:s4] =	ssyncadd.s32 @!p0 $0xFFFFFF80  }
0x46: {  	v0 =	vand.u32 @!p0 $0xF, v0;
	v2 =	vld @!p0 [tilespmem:$0x300]  }
0x47: {  	v3 =	vimm.s32 @!p0 $0x32107654;
	v0 =	vcombine.low @!p0 v0, v1;
	v1 =	vimm.s32 @!p0 $0xBA98FEDC  }
0x48: {  	v3 =	vunpack.c.l.s4.s8 @!p0 v3;
	v1 =	vunpack.c.l.s4.s8 @!p0 v1;
	_ =	sdelay $0x1  }
0x49: {  	v3 =	vunpack.c.0.s8.s32 @!p0 v3;
	v1 =	vunpack.c.0.s8.s32 @!p0 v1  }
0x4a: {  	v0 =	vperm.xlane @!p0 v2, v0  }
0x4b: {  	v1 =	vcombine.low @!p0 v3, v1  }
0x4c: {  	v3 =	vimm.s32 @!p0 $0x54761032;
	v0 =	vadd.f32 @!p0 v0, v2;
	v2 =	vimm.s32 @!p0 $0xDCFE98BA  }
0x4d: {  	v3 =	vunpack.c.l.s4.s8 @!p0 v3;
	v2 =	vunpack.c.l.s4.s8 @!p0 v2  }
0x4e: {  	v1 =	vperm.xlane @!p0 v0, v1  }
0x4f: {  	v3 =	vunpack.c.0.s8.s32 @!p0 v3;
	v2 =	vunpack.c.0.s8.s32 @!p0 v2  }
0x50: {  	v4 =	vimm.s32 @!p0 $0x67452301;
	v0 =	vadd.f32 @!p0 v1, v0;
	v1 =	vimm.s32 @!p0 $0xEFCDAB89  }
0x51: {  	v2 =	vcombine.low @!p0 v3, v2;
	v1 =	vunpack.c.l.s4.s8 @!p0 v1;
	v3 =	vunpack.c.l.s4.s8 @!p0 v4;
	_ =	sdelay $0x1  }
0x52: {  	v2 =	vperm.xlane @!p0 v0, v2;
	v1 =	vunpack.c.0.s8.s32 @!p0 v1;
	v3 =	vunpack.c.0.s8.s32 @!p0 v3;
	_ =	sdelay $0x1  }
0x53: {  	v0 =	vadd.f32 @!p0 v2, v0;
	v1 =	vcombine.low @!p0 v3, v1;
	_ =	sdelay $0x1  }
0x54: {  	v1 =	vperm.xlane @!p0 v0, v1;
	_ =	sdelay $0x1  }
0x55: {  	v0 =	vadd.f32 @!p0 v1, v0;
	_ =	sdelay $0x1  }
0x56: {  	v0 =	vsub.f32 @!p0 $0.0e+00, v0;
	_ =	sdelay $0x1  }
0x57: {  	s2 =	simm.s32 @!p0 $0x0;
	s3 =	simm.s32 @!p0 $0x380;
	[tilespmem:$0x380] =	vst @!p0 v0  }
0x58: {  	[hbm4b:s1+s2] =	stream.linear.scatter @!p0 [tilespmem:s3], [sflag:$0x2], $0x80, $0x38;
	[tilespmem:$0x488] =	vst v63  }
0x59: {  	_ =	swait.ge @!p0 [sflag:s4], $0x80  }
0x5a: {  	[sflag:s4] =	ssyncset.done @!p0 $0x0  }
0x5b: {  	[sflag:s4] =	ssyncadd.s32 @!p0 $0xFFFFFF80  }
0x5c: {  	_ =	sfence.sel @!p0 $0x180000  }
0x5d: {  	[bflag:$0x0] =	sbarrier.arrive @!p0 $0xFFFF  }
0x5e: {  	_ =	strace @!p0 $0x90000047  }
0x5f: {  	s0 =	sadd.s32 @!p0 $0x100000, s0;
	[bflag:$0x2] =	sbarrier.arrive @!p0 $0xFFFF  }
0x60: {  	[sflag:s0] =	ssyncadd.tile.s32 @!p0 $0x1;
	_ =	shalt  }
.Lfunc_end2:
_tile_overlayer_lowered:
.L_overlay_start_2:
0x61: {  	(tag) =	ssettag $0x2  }
0x62: {  	s0 =	rddreg [dreg:$0x0];
	s2 =	stileid.u32  }
0x63: {  	s1 =	rddreg [dreg:$0x1];
	p0 =	sne.s32 s2, $0x0  }
0x64: {  	s3 =	rddreg [dreg:$0x2];
	[bflag:$0x3] =	sbarrier.arrive $0xFFFF;
	s2 =	simm.s32 @!p0 $0x1C02  }
0x65: {  	[timem:s3], [sflag:s2] =	dma.local @!p0 [hbm:s0], s1  }
0x66: {  	s0 =	simm.s32 @!p0 $0x2  }
0x67: {  	_ =	swait.ge @!p0 [sflag:s0], s1  }
0x68: {  	s1 =	ssub.s32 @!p0 $0x0, s1;
	[sflag:s0] =	ssyncset.done @!p0 $0x0  }
0x69: {  	[sflag:s0] =	ssyncadd.s32 @!p0 s1  }
0x6a: {  	[bflag:$0x3] =	sbarrier.arrive $0xFFFF  }
0x6b: {  	_ =	shalt  }

</sc_bundles>
